<compile_context>
chip_gen: v7x
topology: tpu7x:2x2x1
jax: 0.10.2.dev20260603
libtpu: 0.0.44.dev20260713+nightly
codegen_flags: <defaults>
</compile_context>

<pallas_src>
import functools

import jax
import jax.numpy as jnp
from jax import lax
from jax.experimental import pallas as pl
from jax.experimental.pallas import tpu as pltpu
from jax.experimental.pallas import tpu_sc as plsc

_CHUNK = 128
_BLK = 1000




@functools.partial(jax.jit, static_argnums=(2, 3))
def _sc_degree(dst4, zeros_np, N, E):
  mesh = plsc.VectorSubcoreMesh(core_axis_name="c", subcore_axis_name="s")
  blk = 16 * 128
  Np = ((N + blk - 1) // blk) * blk
  stripe = Np // 16
  n_groups = dst4.shape[1] // _G

  @functools.partial(
      pl.kernel,
      out_type=jax.ShapeDtypeStruct((2, Np), jnp.float32),
      mesh=mesh,
      scratch_types=[
          pltpu.VMEM((_G, _CHUNK), jnp.int32),
          pltpu.VMEM((_CHUNK,), jnp.float32),
          pltpu.VMEM_SHARED((Np,), jnp.float32),
          pltpu.SemaphoreType.DMA,
      ],
  )
  def k(dst_hbm, zeros_hbm, out_hbm, dst_v, ones_v, acc, ssem):
    c = lax.axis_index("c")
    s = lax.axis_index("s")
    w = s * 2 + c
    for i in range(_CHUNK // 16):
      ones_v[pl.ds(i * 16, 16)] = jnp.ones((16,), jnp.float32)
    @pl.when(s == 0)
    def _():
      pltpu.sync_copy(zeros_hbm, acc)
    plsc.subcore_barrier()

    def body(g, carry):
      g0 = pl.multiple_of(g * _G, _G)
      pltpu.sync_copy(dst_hbm.at[w].at[pl.ds(g0, _G)], dst_v)
      descs = [pltpu.async_copy(ones_v, acc.at[dst_v.at[b]], ssem, add=True)
               for b in range(_G)]
      for d in descs:
        d.wait()
      return carry

    lax.fori_loop(0, n_groups, body, 0)
    plsc.subcore_barrier()

    def flush(ci):
      @pl.when(c == ci)
      def _():
        off = pl.multiple_of(s * stripe, 128)
        pltpu.sync_copy(acc.at[pl.ds(off, stripe)],
                        out_hbm.at[ci].at[pl.ds(off, stripe)])

    flush(0)
    flush(1)

  return k(dst4, zeros_np)


_G = 8


@functools.partial(jax.jit, static_argnums=(4, 5))
def _sc_aggregate(hws, src3, dst3, zeros_n16, N, E):
  mesh = plsc.VectorSubcoreMesh(core_axis_name="c", subcore_axis_name="s")
  Np = ((N + 127) // 128) * 128
  rpt = Np // 16
  n_rows = src3.shape[1]
  n_groups = n_rows // _G
  n_pairs = n_groups // 2
  assert n_groups % 2 == 0

  @functools.partial(
      pl.kernel,
      out_type=jax.ShapeDtypeStruct((4, Np, 16), jnp.float32),
      mesh=mesh,
      scratch_types=[
          pltpu.VMEM((_G, _CHUNK), jnp.int32),
          pltpu.VMEM((_G, _CHUNK), jnp.int32),
          pltpu.VMEM((_G, _CHUNK), jnp.int32),
          pltpu.VMEM((_G, _CHUNK), jnp.int32),
          pltpu.VMEM((_G, _CHUNK, 16), jnp.float32),
          pltpu.VMEM((_G, _CHUNK, 16), jnp.float32),
          pltpu.VMEM_SHARED((Np, 16), jnp.float32),
          pltpu.SemaphoreType.DMA,
          pltpu.SemaphoreType.DMA,
          pltpu.SemaphoreType.DMA,
          pltpu.SemaphoreType.DMA,
          pltpu.SemaphoreType.DMA,
          pltpu.SemaphoreType.DMA,
      ],
      compiler_params=pltpu.CompilerParams(use_tc_tiling_on_sc=False),
  )
  def k(hws_hbm, src_hbm, dst_hbm, zeros_hbm, out_hbm,
        src_v0, src_v1, dst_v0, dst_v1, rows_v0, rows_v1, acc,
        isem0, isem1, gsem0, gsem1, ssem0, ssem1):
    src_v = [src_v0, src_v1]
    dst_v = [dst_v0, dst_v1]
    rows_v = [rows_v0, rows_v1]
    isem = [isem0, isem1]
    gsem = [gsem0, gsem1]
    ssem = [ssem0, ssem1]
    c = lax.axis_index("c")
    s = lax.axis_index("s")
    row0 = pl.multiple_of(s * rpt, 8)

    def load_idx(buf, g):
      g0 = pl.multiple_of(g * _G, _G)
      ia = pltpu.async_copy(src_hbm.at[s].at[pl.ds(g0, _G)],
                            src_v[buf], isem[buf])
      ib = pltpu.async_copy(dst_hbm.at[s].at[pl.ds(g0, _G)],
                            dst_v[buf], isem[buf])
      return ia, ib

    def fire_gathers(buf, tbl):
      def gbody(b, carry):
        pltpu.async_copy(tbl.at[src_v[buf].at[b]],
                         rows_v[buf].at[b], gsem[buf])
        return carry
      lax.fori_loop(0, _G, gbody, 0)

    def drain_gathers(buf):
      for _ in range(_G):
        pltpu.make_async_copy(zeros_hbm.at[pl.ds(0, _CHUNK)],
                              rows_v[buf].at[0], gsem[buf]).wait()

    def fire_scatters(buf):
      def sbody(b, carry):
        pltpu.async_copy(rows_v[buf].at[b],
                         acc.at[dst_v[buf].at[b]],
                         ssem[buf], add=True)
        return carry
      lax.fori_loop(0, _G, sbody, 0)

    def drain_scatters(buf):
      for _ in range(_G):
        pltpu.make_async_copy(zeros_hbm.at[pl.ds(0, _CHUNK)],
                              rows_v[buf].at[0], ssem[buf]).wait()

    for ci in range(2):
      @pl.when(c == ci)
      def _():
        for p in range(2):
          q = 2 * ci + p
          tbl = hws_hbm.at[q]

          pltpu.sync_copy(zeros_hbm.at[pl.ds(row0, rpt)],
                          acc.at[pl.ds(row0, rpt)])
          plsc.subcore_barrier()

          def body(j, carry):
            ia0, ib0 = load_idx(0, 2 * j)
            ia1, ib1 = load_idx(1, 2 * j + 1)
            ia0.wait(); ib0.wait()
            fire_gathers(0, tbl)
            ia1.wait(); ib1.wait()
            fire_gathers(1, tbl)
            drain_gathers(0)
            fire_scatters(0)
            drain_gathers(1)
            fire_scatters(1)
            drain_scatters(0)
            drain_scatters(1)
            return carry

          lax.fori_loop(0, n_pairs, body, 0)
          plsc.subcore_barrier()
          pltpu.sync_copy(acc.at[pl.ds(row0, rpt)],
                          out_hbm.at[q].at[pl.ds(row0, rpt)])
          plsc.subcore_barrier()

  return k(hws, src3, dst3, zeros_n16)




def _split16(hws, out_ref):
  for q in range(4):
    out_ref[q, ...] = hws[:, 16 * q:16 * (q + 1)]


def _mm1_body(x_ref, w_ref, deg_ref, out_ref):
  dinv = lax.rsqrt(deg_ref[...])
  hws = jnp.dot(x_ref[...], w_ref[...],
                preferred_element_type=jnp.float32) * dinv
  _split16(hws, out_ref)


def _mm1(x, w, deg2d, N, D):
  grid = (N // _BLK,)
  return pl.pallas_call(
      _mm1_body,
      grid=grid,
      in_specs=[
          pl.BlockSpec((_BLK, D), lambda i: (i, 0)),
          pl.BlockSpec((D, 64), lambda i: (0, 0)),
          pl.BlockSpec((_BLK, 1), lambda i: (i, 0)),
      ],
      out_specs=pl.BlockSpec((4, _BLK, 16), lambda i: (0, i, 0)),
      out_shape=jax.ShapeDtypeStruct((4, N, 16), jnp.float32),
  )(x, w, deg2d)


def _core_h(agg_ref, hws_ref, deg_ref, stats_ref, gamma_ref, beta_ref, n):
  dinv = lax.rsqrt(deg_ref[...])
  core = jnp.concatenate(
      [agg_ref[q] + hws_ref[q] for q in range(4)], axis=1) * dinv
  mu = stats_ref[0:1, :] / n
  var = stats_ref[1:2, :] / n - mu * mu
  h = gamma_ref[...] * (core - mu) * lax.rsqrt(var + 1e-5) + beta_ref[...]
  return jnp.maximum(h, 0.0)


def _stats_body(agg_ref, hws_ref, deg_ref, out_ref):
  i = pl.program_id(0)
  @pl.when(i == 0)
  def _():
    out_ref[...] = jnp.zeros_like(out_ref)
  dinv = lax.rsqrt(deg_ref[...])
  core = jnp.concatenate(
      [agg_ref[q] + hws_ref[q] for q in range(4)], axis=1) * dinv
  out_ref[...] += jnp.stack(
      [jnp.sum(core, axis=0), jnp.sum(core * core, axis=0)], axis=0)


def _stats(agg, hws, deg2d, N):
  grid = (N // _BLK,)
  return pl.pallas_call(
      _stats_body,
      grid=grid,
      in_specs=[
          pl.BlockSpec((4, _BLK, 16), lambda i: (0, i, 0)),
          pl.BlockSpec((4, _BLK, 16), lambda i: (0, i, 0)),
          pl.BlockSpec((_BLK, 1), lambda i: (i, 0)),
      ],
      out_specs=pl.BlockSpec((2, 64), lambda i: (0, 0)),
      out_shape=jax.ShapeDtypeStruct((2, 64), jnp.float32),
  )(agg, hws, deg2d)


def _mm23_body(agg_ref, hws_ref, deg_ref, stats_ref, gamma_ref, beta_ref,
               w_ref, out_ref, *, n):
  h = _core_h(agg_ref, hws_ref, deg_ref, stats_ref, gamma_ref, beta_ref, n)
  dinv = lax.rsqrt(deg_ref[...])
  hws = jnp.dot(h, w_ref[...], preferred_element_type=jnp.float32) * dinv
  _split16(hws, out_ref)


def _mm23(agg, hws, deg2d, stats, gamma, beta, w, N):
  grid = (N // _BLK,)
  return pl.pallas_call(
      functools.partial(_mm23_body, n=float(N)),
      grid=grid,
      in_specs=[
          pl.BlockSpec((4, _BLK, 16), lambda i: (0, i, 0)),
          pl.BlockSpec((4, _BLK, 16), lambda i: (0, i, 0)),
          pl.BlockSpec((_BLK, 1), lambda i: (i, 0)),
          pl.BlockSpec((2, 64), lambda i: (0, 0)),
          pl.BlockSpec((1, 64), lambda i: (0, 0)),
          pl.BlockSpec((1, 64), lambda i: (0, 0)),
          pl.BlockSpec((64, 64), lambda i: (0, 0)),
      ],
      out_specs=pl.BlockSpec((4, _BLK, 16), lambda i: (0, i, 0)),
      out_shape=jax.ShapeDtypeStruct((4, N, 16), jnp.float32),
  )(agg, hws, deg2d, stats, gamma, beta, w)


def _final_body(agg_ref, hws_ref, deg_ref, stats_ref, gamma_ref, beta_ref,
                gctx_ref, w1a_ref, w1b_ref, fb1_ref, w2_ref, fb2_ref,
                dw1_ref, db1_ref, dw2_ref, db2_ref, theta_ref,
                delta_ref, thout_ref, *, n):
  h3 = _core_h(agg_ref, hws_ref, deg_ref, stats_ref, gamma_ref, beta_ref, n)
  gv = jnp.dot(gctx_ref[...], w1b_ref[...],
               preferred_element_type=jnp.float32) + fb1_ref[...]
  t = jnp.maximum(
      jnp.dot(h3, w1a_ref[...], preferred_element_type=jnp.float32) + gv, 0.0)
  hf = h3 + jnp.dot(t, w2_ref[...],
                    preferred_element_type=jnp.float32) + fb2_ref[...]
  d1 = jnp.maximum(
      jnp.dot(hf, dw1_ref[...], preferred_element_type=jnp.float32)
      + db1_ref[...], 0.0)
  dfull = jnp.dot(d1, dw2_ref[...], preferred_element_type=jnp.float32)
  delta = dfull[:, 0:1] + db2_ref[...]
  a = theta_ref[...] + delta
  delta_ref[...] = delta
  thout_ref[...] = jnp.arctan2(jnp.sin(a), jnp.cos(a))


def _final(agg, hws, deg2d, stats, gamma, beta, gctx, w1a, w1b, fb1, w2, fb2,
           dw1, db1, dw2p, db2, theta2d, N):
  grid = (N // _BLK,)
  full = lambda shape: pl.BlockSpec(shape, lambda i: tuple(0 for _ in shape))
  return pl.pallas_call(
      functools.partial(_final_body, n=float(N)),
      grid=grid,
      in_specs=[
          pl.BlockSpec((4, _BLK, 16), lambda i: (0, i, 0)),
          pl.BlockSpec((4, _BLK, 16), lambda i: (0, i, 0)),
          pl.BlockSpec((_BLK, 1), lambda i: (i, 0)),
          full((2, 64)),
          full((1, 64)),
          full((1, 64)),
          full((1, 4)),
          full((64, 64)),
          full((4, 64)),
          full((1, 64)),
          full((64, 64)),
          full((1, 64)),
          full((64, 64)),
          full((1, 64)),
          full((64, 128)),
          full((1, 1)),
          pl.BlockSpec((_BLK, 1), lambda i: (i, 0)),
      ],
      out_specs=[
          pl.BlockSpec((_BLK, 1), lambda i: (i, 0)),
          pl.BlockSpec((_BLK, 1), lambda i: (i, 0)),
      ],
      out_shape=[
          jax.ShapeDtypeStruct((N, 1), jnp.float32),
          jax.ShapeDtypeStruct((N, 1), jnp.float32),
      ],
  )(agg, hws, deg2d, stats, gamma, beta, gctx, w1a, w1b, fb1, w2, fb2,
    dw1, db1, dw2p, db2, theta2d)




def kernel(x, edge_index, global_ctx, theta_t, params):
  N, D = x.shape
  E = edge_index.shape[1]
  src = edge_index[0]
  dst = edge_index[1]
  Np = ((N + 16 * 128 - 1) // (16 * 128)) * (16 * 128)
  zeros_np = jnp.zeros((Np,), jnp.float32)
  zeros_n16 = jnp.zeros((((N + 127) // 128) * 128, 16), jnp.float32)

  quant = _CHUNK * 16 * 2 * _G
  E_pad = ((E + quant - 1) // quant) * quant
  srcp = jnp.concatenate([src, jnp.zeros((E_pad - E,), jnp.int32)])
  dstp = jnp.concatenate([dst, jnp.full((E_pad - E,), N, jnp.int32)])
  src3 = srcp.reshape(16, -1, _CHUNK)
  dst3 = dstp.reshape(16, -1, _CHUNK)
  dst4 = dstp.reshape(32, -1, _CHUNK)

  parts = _sc_degree(dst4, zeros_np, N, E)
  deg2d = (parts[0, :N] + parts[1, :N] + 1.0).reshape(N, 1)

  hws = _mm1(x, params["gcn_W"][0], deg2d, N, D)
  r = lambda v: v.reshape(1, -1)
  for li in range(3):
    agg = _sc_aggregate(hws, src3, dst3, zeros_n16, N, E)
    stats = _stats(agg, hws, deg2d, N)
    gamma = r(params["bn_gamma"][li])
    beta = r(params["bn_beta"][li])
    if li < 2:
      hws = _mm23(agg, hws, deg2d, stats, gamma, beta,
                  params["gcn_W"][li + 1], N)
    else:
      dw2p = jnp.pad(params["dec_W2"], ((0, 0), (0, 127)))
      delta2d, theta2d = _final(
          agg, hws, deg2d, stats, gamma, beta, global_ctx,
          params["fus_W1"][:64], params["fus_W1"][64:], r(params["fus_b1"]),
          params["fus_W2"], r(params["fus_b2"]),
          params["dec_W1"], r(params["dec_b1"]),
          dw2p, params["dec_b2"].reshape(1, 1),
          theta_t.reshape(N, 1), N)
  return delta2d[:, 0], theta2d[:, 0]

# --- scband reference (transcript-rebuilt; emitter-appended) ---
"""Pipeline reference for scband-kuramoto-pignn-16535624090334 (READ-ONLY COPY).

The authoritative reference and input builder live on the scoring server;
editing this copy changes nothing except your own understanding.
"""

import jax, jax.numpy as jnp
import numpy as np

N = 50000
E = 800000
D_IN = 128
H = 64
G = 4


def setup_inputs(seed: int = 0) -> dict:
    key = jax.random.key(seed)
    ks = jax.random.split(key, 16)
    def p(i, shape, scale=0.05):
        return jax.random.normal(ks[i], shape, jnp.float32) * scale
    x = jax.random.normal(ks[0], (N, D_IN), jnp.float32)
    edge_index = jax.random.randint(ks[1], (2, E), 0, N, dtype=jnp.int32)
    global_ctx = jax.random.normal(ks[2], (1, G), jnp.float32)
    theta_t = jax.random.normal(ks[3], (N,), jnp.float32)
    params = {
        "gcn_W": [p(4, (D_IN, H)), p(5, (H, H)), p(6, (H, H))],
        "gcn_b": [jnp.zeros((H,), jnp.float32) for _ in range(3)],
        "bn_gamma": [jnp.ones((H,), jnp.float32) for _ in range(3)],
        "bn_beta": [jnp.zeros((H,), jnp.float32) for _ in range(3)],
        "fus_W1": p(7, (H + G, H)), "fus_b1": jnp.zeros((H,), jnp.float32),
        "fus_W2": p(8, (H, H)), "fus_b2": jnp.zeros((H,), jnp.float32),
        "dec_W1": p(9, (H, H)), "dec_b1": jnp.zeros((H,), jnp.float32),
        "dec_W2": p(10, (H, 1)), "dec_b2": jnp.zeros((1,), jnp.float32),
    }
    return {"x": x, "edge_index": edge_index, "global_ctx": global_ctx, "theta_t": theta_t, "params": params}


def _bn(h, gamma, beta):
    mu = jnp.mean(h, axis=0, keepdims=True)
    var = jnp.var(h, axis=0, keepdims=True)
    return gamma * (h - mu) / jnp.sqrt(var + 1e-5) + beta


def _forward(x, global_ctx, theta_t, params, edge_index):
    # GCN normalization with self-loops (symmetric deg^-1/2)
    loop = jnp.arange(N, dtype=edge_index.dtype)
    src = jnp.concatenate([edge_index[0], loop])
    dst = jnp.concatenate([edge_index[1], loop])
    deg = jnp.zeros((N,), jnp.float32).at[dst].add(1.0)
    dinv = 1.0 / jnp.sqrt(deg)
    norm = dinv[src] * dinv[dst]
    h = x
    for W, b, g_, bt in zip(params["gcn_W"], params["gcn_b"], params["bn_gamma"], params["bn_beta"]):
        hw = h @ W                                   # project to hidden first (as PyG GCNConv)
        msg = hw[src] * norm[:, None]                # gather
        h = jnp.zeros((N, hw.shape[1]), jnp.float32).at[dst].add(msg) + b  # scatter-add
        h = _bn(h, g_, bt)
        h = jax.nn.relu(h)
        # dropout: eval mode -> identity
    # GlobalContextFusion (single graph, batch=None)
    gctx = jnp.broadcast_to(global_ctx.reshape(1, -1), (N, G))
    z = jnp.concatenate([h, gctx], axis=-1)
    h = h + (jax.nn.relu(z @ params["fus_W1"] + params["fus_b1"]) @ params["fus_W2"] + params["fus_b2"])
    # StateDecoder
    delta = (jax.nn.relu(h @ params["dec_W1"] + params["dec_b1"]) @ params["dec_W2"] + params["dec_b2"])[:, 0]
    theta_next = jnp.arctan2(jnp.sin(theta_t + delta), jnp.cos(theta_t + delta))
    return delta, theta_next


def reference(x, edge_index, global_ctx, theta_t, params):
    return _forward(x, global_ctx, theta_t, params, edge_index)

if __name__ == "__main__":
    import jax
    _d = setup_inputs()
    print(jax.jit(kernel)(*tuple(_d.values())))

</pallas_src>

<mosaic_0001>
#map = affine_map<(d0, d1) -> (0, 0, 0)>
#map1 = affine_map<(d0, d1) -> (0)>
#map2 = affine_map<(d0, d1) -> (0, 0)>
module attributes {stable_mosaic.version = 14 : i64} {
  func.func @k(%arg0: i32, %arg1: i32, %arg2: memref<32x200x128xi32, #tpu.memory_space<hbm>>, %arg3: memref<51200xf32, #tpu.memory_space<hbm>>, %arg4: memref<2x51200xf32, #tpu.memory_space<hbm>>, %arg5: memref<8x128xi32, #tpu.memory_space<vmem>>, %arg6: memref<128xf32, #tpu.memory_space<vmem>>, %arg7: memref<51200xf32, #tpu.memory_space<vmem_shared>>, %arg8: memref<!tpu.dma_semaphore, #tpu.memory_space<semaphore_mem>>) attributes {dimension_semantics = [#tpu.dimension_semantics<core_parallel>, #tpu.dimension_semantics<subcore_parallel>], iteration_bounds = array<i64: 2, 16>, scalar_prefetch = 0 : i64, scratch_operands = 4 : i64, tpu.core_type = #tpu.core_type<sc_vector_subcore>, window_params = [{transform_indices = #map}, {transform_indices = #map1}, {transform_indices = #map2}]} {
    %mul3A = arith.constant 2 : i32
    %mul3A_0 = arith.muli %arg1, %mul3A : i32
    %add3A = arith.addi %mul3A_0, %arg0 : i32
    %broadcast_in_dim3A = arith.constant 1.000000e+00 : f32
    %broadcast_in_dim3A_1 = vector.broadcast %broadcast_in_dim3A : f32 to vector<16xf32>
    %swap3A = arith.constant 0 : index
    %swap3A_2 = tpu.vector_load %arg6[%swap3A] {strides = array<i32>} : memref<128xf32, #tpu.memory_space<vmem>>, vector<16xf32>,
    %swap3A_3 = vector.shape_cast %swap3A_2 : vector<16xf32> to vector<16xf32>
    %swap3A_4 = vector.shape_cast %broadcast_in_dim3A_1 : vector<16xf32> to vector<16xf32>
    tpu.vector_store %arg6[%swap3A], %swap3A_4 {strides = array<i32>} : memref<128xf32, #tpu.memory_space<vmem>>, vector<16xf32>,
    %broadcast_in_dim3A_5 = arith.constant 1.000000e+00 : f32
    %broadcast_in_dim3A_6 = vector.broadcast %broadcast_in_dim3A_5 : f32 to vector<16xf32>
    %swap3A_7 = arith.constant 16 : index
    %swap3A_8 = tpu.vector_load %arg6[%swap3A_7] {strides = array<i32>} : memref<128xf32, #tpu.memory_space<vmem>>, vector<16xf32>,
    %swap3A_9 = vector.shape_cast %swap3A_8 : vector<16xf32> to vector<16xf32>
    %swap3A_10 = vector.shape_cast %broadcast_in_dim3A_6 : vector<16xf32> to vector<16xf32>
    tpu.vector_store %arg6[%swap3A_7], %swap3A_10 {strides = array<i32>} : memref<128xf32, #tpu.memory_space<vmem>>, vector<16xf32>,
    %broadcast_in_dim3A_11 = arith.constant 1.000000e+00 : f32
    %broadcast_in_dim3A_12 = vector.broadcast %broadcast_in_dim3A_11 : f32 to vector<16xf32>
    %swap3A_13 = arith.constant 32 : index
    %swap3A_14 = tpu.vector_load %arg6[%swap3A_13] {strides = array<i32>} : memref<128xf32, #tpu.memory_space<vmem>>, vector<16xf32>,
    %swap3A_15 = vector.shape_cast %swap3A_14 : vector<16xf32> to vector<16xf32>
    %swap3A_16 = vector.shape_cast %broadcast_in_dim3A_12 : vector<16xf32> to vector<16xf32>
    tpu.vector_store %arg6[%swap3A_13], %swap3A_16 {strides = array<i32>} : memref<128xf32, #tpu.memory_space<vmem>>, vector<16xf32>,
    %broadcast_in_dim3A_17 = arith.constant 1.000000e+00 : f32
    %broadcast_in_dim3A_18 = vector.broadcast %broadcast_in_dim3A_17 : f32 to vector<16xf32>
    %swap3A_19 = arith.constant 48 : index
    %swap3A_20 = tpu.vector_load %arg6[%swap3A_19] {strides = array<i32>} : memref<128xf32, #tpu.memory_space<vmem>>, vector<16xf32>,
    %swap3A_21 = vector.shape_cast %swap3A_20 : vector<16xf32> to vector<16xf32>
    %swap3A_22 = vector.shape_cast %broadcast_in_dim3A_18 : vector<16xf32> to vector<16xf32>
    tpu.vector_store %arg6[%swap3A_19], %swap3A_22 {strides = array<i32>} : memref<128xf32, #tpu.memory_space<vmem>>, vector<16xf32>,
    %broadcast_in_dim3A_23 = arith.constant 1.000000e+00 : f32
    %broadcast_in_dim3A_24 = vector.broadcast %broadcast_in_dim3A_23 : f32 to vector<16xf32>
    %swap3A_25 = arith.constant 64 : index
    %swap3A_26 = tpu.vector_load %arg6[%swap3A_25] {strides = array<i32>} : memref<128xf32, #tpu.memory_space<vmem>>, vector<16xf32>,
    %swap3A_27 = vector.shape_cast %swap3A_26 : vector<16xf32> to vector<16xf32>
    %swap3A_28 = vector.shape_cast %broadcast_in_dim3A_24 : vector<16xf32> to vector<16xf32>
    tpu.vector_store %arg6[%swap3A_25], %swap3A_28 {strides = array<i32>} : memref<128xf32, #tpu.memory_space<vmem>>, vector<16xf32>,
    %broadcast_in_dim3A_29 = arith.constant 1.000000e+00 : f32
    %broadcast_in_dim3A_30 = vector.broadcast %broadcast_in_dim3A_29 : f32 to vector<16xf32>
    %swap3A_31 = arith.constant 80 : index
    %swap3A_32 = tpu.vector_load %arg6[%swap3A_31] {strides = array<i32>} : memref<128xf32, #tpu.memory_space<vmem>>, vector<16xf32>,
    %swap3A_33 = vector.shape_cast %swap3A_32 : vector<16xf32> to vector<16xf32>
    %swap3A_34 = vector.shape_cast %broadcast_in_dim3A_30 : vector<16xf32> to vector<16xf32>
    tpu.vector_store %arg6[%swap3A_31], %swap3A_34 {strides = array<i32>} : memref<128xf32, #tpu.memory_space<vmem>>, vector<16xf32>,
    %broadcast_in_dim3A_35 = arith.constant 1.000000e+00 : f32
    %broadcast_in_dim3A_36 = vector.broadcast %broadcast_in_dim3A_35 : f32 to vector<16xf32>
    %swap3A_37 = arith.constant 96 : index
    %swap3A_38 = tpu.vector_load %arg6[%swap3A_37] {strides = array<i32>} : memref<128xf32, #tpu.memory_space<vmem>>, vector<16xf32>,
    %swap3A_39 = vector.shape_cast %swap3A_38 : vector<16xf32> to vector<16xf32>
    %swap3A_40 = vector.shape_cast %broadcast_in_dim3A_36 : vector<16xf32> to vector<16xf32>
    tpu.vector_store %arg6[%swap3A_37], %swap3A_40 {strides = array<i32>} : memref<128xf32, #tpu.memory_space<vmem>>, vector<16xf32>,
    %broadcast_in_dim3A_41 = arith.constant 1.000000e+00 : f32
    %broadcast_in_dim3A_42 = vector.broadcast %broadcast_in_dim3A_41 : f32 to vector<16xf32>
    %swap3A_43 = arith.constant 112 : index
    %swap3A_44 = tpu.vector_load %arg6[%swap3A_43] {strides = array<i32>} : memref<128xf32, #tpu.memory_space<vmem>>, vector<16xf32>,
    %swap3A_45 = vector.shape_cast %swap3A_44 : vector<16xf32> to vector<16xf32>
    %swap3A_46 = vector.shape_cast %broadcast_in_dim3A_42 : vector<16xf32> to vector<16xf32>
    tpu.vector_store %arg6[%swap3A_43], %swap3A_46 {strides = array<i32>} : memref<128xf32, #tpu.memory_space<vmem>>, vector<16xf32>,
    %eq3A = arith.constant 0 : i32
    %eq3A_47 = arith.cmpi eq, %arg1, %eq3A : i32
    %convert_element_type3A = arith.extui %eq3A_47 : i1 to i32
    %cond3A = arith.constant 0 : i32
    %cond3A_48 = arith.cmpi ne, %convert_element_type3A, %cond3A : i32
    scf.if %cond3A_48 {
      "tpu.region"() ({
        %run_scoped3A = tpu.sem_alloc : memref<!tpu.dma_semaphore, #tpu.memory_space<semaphore_mem>>
        tpu.enqueue_dma source(%arg3 : memref<51200xf32, #tpu.memory_space<hbm>>) target(%arg7 : memref<51200xf32, #tpu.memory_space<vmem_shared>>) target_semaphore(%run_scoped3A : memref<!tpu.dma_semaphore, #tpu.memory_space<semaphore_mem>>)
        tpu.wait_dma2 semaphore(%run_scoped3A : memref<!tpu.dma_semaphore, #tpu.memory_space<semaphore_mem>>) src(%arg3 : memref<51200xf32, #tpu.memory_space<hbm>>) dst(%arg7 : memref<51200xf32, #tpu.memory_space<vmem_shared>>)
        tpu.yield
      }) : () -> ()
    } else {
    }
    %barrier3A = arith.constant 0 : index
    tpu.barrier barrier_id(%barrier3A)
    %scan3A = arith.constant 0 : i32
    %scan3A_49 = arith.constant 0 : i32
    %scan3A_50 = arith.constant 25 : i32
    %scan3A_51 = arith.addi %scan3A_49, %scan3A_50 : i32
    %scan3A_52 = arith.constant 1 : i32
    scf.for %scan3A_65 = %scan3A_49 to %scan3A_51 step %scan3A_52  : i32 {
      %mul3A_66 = arith.constant 8 : i32
      %mul3A_67 = arith.muli %scan3A_65, %mul3A_66 : i32
      %multiple_of3A = tpu.assume_multiple %mul3A_67, 8 : i32
      "tpu.region"() ({
        %run_scoped3A = tpu.sem_alloc : memref<!tpu.dma_semaphore, #tpu.memory_space<semaphore_mem>>
        %dma_start3A_162 = arith.constant 0 : i32
        %dma_start3A_163 = arith.constant 0 : i32
        %dma_start3A_164 = tpu.memref_slice %arg2[%add3A, %dma_start3A_162, %dma_start3A_163] : memref<32x200x128xi32, #tpu.memory_space<hbm>> -> memref<1x200x128xi32, #tpu.memory_space<hbm>>
        %dma_start3A_165 = tpu.memref_squeeze %dma_start3A_164 : memref<1x200x128xi32, #tpu.memory_space<hbm>> -> memref<200x128xi32, #tpu.memory_space<hbm>>
        %dma_start3A_166 = arith.constant 0 : i32
        %dma_start3A_167 = tpu.memref_slice %dma_start3A_165[%multiple_of3A, %dma_start3A_166] : memref<200x128xi32, #tpu.memory_space<hbm>> -> memref<8x128xi32, #tpu.memory_space<hbm>>
        %dma_start3A_168 = arith.constant 0 : i32
        %dma_start3A_169 = arith.constant 0 : i32
        %dma_start3A_170 = tpu.memref_slice %arg2[%add3A, %dma_start3A_168, %dma_start3A_169] : memref<32x200x128xi32, #tpu.memory_space<hbm>> -> memref<1x200x128xi32, #tpu.memory_space<hbm>>
        %dma_start3A_171 = tpu.memref_squeeze %dma_start3A_170 : memref<1x200x128xi32, #tpu.memory_space<hbm>> -> memref<200x128xi32, #tpu.memory_space<hbm>>
        %dma_start3A_172 = arith.constant 0 : i32
        %dma_start3A_173 = tpu.memref_slice %dma_start3A_171[%multiple_of3A, %dma_start3A_172] : memref<200x128xi32, #tpu.memory_space<hbm>> -> memref<8x128xi32, #tpu.memory_space<hbm>>
        tpu.enqueue_dma source(%dma_start3A_173 : memref<8x128xi32, #tpu.memory_space<hbm>>) target(%arg5 : memref<8x128xi32, #tpu.memory_space<vmem>>) target_semaphore(%run_scoped3A : memref<!tpu.dma_semaphore, #tpu.memory_space<semaphore_mem>>)
        %dma_wait3A_174 = arith.constant 0 : i32
        %dma_wait3A_175 = arith.constant 0 : i32
        %dma_wait3A_176 = tpu.memref_slice %arg2[%add3A, %dma_wait3A_174, %dma_wait3A_175] : memref<32x200x128xi32, #tpu.memory_space<hbm>> -> memref<1x200x128xi32, #tpu.memory_space<hbm>>
        %dma_wait3A_177 = tpu.memref_squeeze %dma_wait3A_176 : memref<1x200x128xi32, #tpu.memory_space<hbm>> -> memref<200x128xi32, #tpu.memory_space<hbm>>
        %dma_wait3A_178 = arith.constant 0 : i32
        %dma_wait3A_179 = tpu.memref_slice %dma_wait3A_177[%multiple_of3A, %dma_wait3A_178] : memref<200x128xi32, #tpu.memory_space<hbm>> -> memref<8x128xi32, #tpu.memory_space<hbm>>
        %dma_wait3A_180 = arith.constant 0 : i32
        %dma_wait3A_181 = arith.constant 0 : i32
        %dma_wait3A_182 = tpu.memref_slice %arg2[%add3A, %dma_wait3A_180, %dma_wait3A_181] : memref<32x200x128xi32, #tpu.memory_space<hbm>> -> memref<1x200x128xi32, #tpu.memory_space<hbm>>
        %dma_wait3A_183 = tpu.memref_squeeze %dma_wait3A_182 : memref<1x200x128xi32, #tpu.memory_space<hbm>> -> memref<200x128xi32, #tpu.memory_space<hbm>>
        %dma_wait3A_184 = arith.constant 0 : i32
        %dma_wait3A_185 = tpu.memref_slice %dma_wait3A_183[%multiple_of3A, %dma_wait3A_184] : memref<200x128xi32, #tpu.memory_space<hbm>> -> memref<8x128xi32, #tpu.memory_space<hbm>>
        tpu.wait_dma2 semaphore(%run_scoped3A : memref<!tpu.dma_semaphore, #tpu.memory_space<semaphore_mem>>) src(%dma_wait3A_185 : memref<8x128xi32, #tpu.memory_space<hbm>>) dst(%arg5 : memref<8x128xi32, #tpu.memory_space<vmem>>)
        tpu.yield
      }) : () -> ()
      %dma_start3A = arith.constant 0 : i32
      %dma_start3A_68 = arith.constant 0 : i32
      %dma_start3A_69 = tpu.memref_slice %arg5[%dma_start3A, %dma_start3A_68] : memref<8x128xi32, #tpu.memory_space<vmem>> -> memref<1x128xi32, #tpu.memory_space<vmem>>
      %dma_start3A_70 = tpu.memref_squeeze %dma_start3A_69 : memref<1x128xi32, #tpu.memory_space<vmem>> -> memref<128xi32, #tpu.memory_space<vmem>>
      %dma_start3A_71 = arith.constant 0 : i32
      %dma_start3A_72 = tpu.memref_slice %arg7[%dma_start3A_71] : memref<51200xf32, #tpu.memory_space<vmem_shared>> -> memref<51200xf32, #tpu.memory_space<vmem_shared>>
      tpu.enqueue_indirect_dma source(%arg6 : memref<128xf32, #tpu.memory_space<vmem>>) target(%dma_start3A_72 : memref<51200xf32, #tpu.memory_space<vmem_shared>>) offsets(%dma_start3A_70 : memref<128xi32, #tpu.memory_space<vmem>>) semaphore(%arg8 : memref<!tpu.dma_semaphore, #tpu.memory_space<semaphore_mem>>) {add = true}
      %dma_start3A_73 = arith.constant 1 : i32
      %dma_start3A_74 = arith.constant 0 : i32
      %dma_start3A_75 = tpu.memref_slice %arg5[%dma_start3A_73, %dma_start3A_74] : memref<8x128xi32, #tpu.memory_space<vmem>> -> memref<1x128xi32, #tpu.memory_space<vmem>>
      %dma_start3A_76 = tpu.memref_squeeze %dma_start3A_75 : memref<1x128xi32, #tpu.memory_space<vmem>> -> memref<128xi32, #tpu.memory_space<vmem>>
      %dma_start3A_77 = arith.constant 0 : i32
      %dma_start3A_78 = tpu.memref_slice %arg7[%dma_start3A_77] : memref<51200xf32, #tpu.memory_space<vmem_shared>> -> memref<51200xf32, #tpu.memory_space<vmem_shared>>
      tpu.enqueue_indirect_dma source(%arg6 : memref<128xf32, #tpu.memory_space<vmem>>) target(%dma_start3A_78 : memref<51200xf32, #tpu.memory_space<vmem_shared>>) offsets(%dma_start3A_76 : memref<128xi32, #tpu.memory_space<vmem>>) semaphore(%arg8 : memref<!tpu.dma_semaphore, #tpu.memory_space<semaphore_mem>>) {add = true}
      %dma_start3A_79 = arith.constant 2 : i32
      %dma_start3A_80 = arith.constant 0 : i32
      %dma_start3A_81 = tpu.memref_slice %arg5[%dma_start3A_79, %dma_start3A_80] : memref<8x128xi32, #tpu.memory_space<vmem>> -> memref<1x128xi32, #tpu.memory_space<vmem>>
      %dma_start3A_82 = tpu.memref_squeeze %dma_start3A_81 : memref<1x128xi32, #tpu.memory_space<vmem>> -> memref<128xi32, #tpu.memory_space<vmem>>
      %dma_start3A_83 = arith.constant 0 : i32
      %dma_start3A_84 = tpu.memref_slice %arg7[%dma_start3A_83] : memref<51200xf32, #tpu.memory_space<vmem_shared>> -> memref<51200xf32, #tpu.memory_space<vmem_shared>>
      tpu.enqueue_indirect_dma source(%arg6 : memref<128xf32, #tpu.memory_space<vmem>>) target(%dma_start3A_84 : memref<51200xf32, #tpu.memory_space<vmem_shared>>) offsets(%dma_start3A_82 : memref<128xi32, #tpu.memory_space<vmem>>) semaphore(%arg8 : memref<!tpu.dma_semaphore, #tpu.memory_space<semaphore_mem>>) {add = true}
      %dma_start3A_85 = arith.constant 3 : i32
      %dma_start3A_86 = arith.constant 0 : i32
      %dma_start3A_87 = tpu.memref_slice %arg5[%dma_start3A_85, %dma_start3A_86] : memref<8x128xi32, #tpu.memory_space<vmem>> -> memref<1x128xi32, #tpu.memory_space<vmem>>
      %dma_start3A_88 = tpu.memref_squeeze %dma_start3A_87 : memref<1x128xi32, #tpu.memory_space<vmem>> -> memref<128xi32, #tpu.memory_space<vmem>>
      %dma_start3A_89 = arith.constant 0 : i32
      %dma_start3A_90 = tpu.memref_slice %arg7[%dma_start3A_89] : memref<51200xf32, #tpu.memory_space<vmem_shared>> -> memref<51200xf32, #tpu.memory_space<vmem_shared>>
      tpu.enqueue_indirect_dma source(%arg6 : memref<128xf32, #tpu.memory_space<vmem>>) target(%dma_start3A_90 : memref<51200xf32, #tpu.memory_space<vmem_shared>>) offsets(%dma_start3A_88 : memref<128xi32, #tpu.memory_space<vmem>>) semaphore(%arg8 : memref<!tpu.dma_semaphore, #tpu.memory_space<semaphore_mem>>) {add = true}
      %dma_start3A_91 = arith.constant 4 : i32
      %dma_start3A_92 = arith.constant 0 : i32
      %dma_start3A_93 = tpu.memref_slice %arg5[%dma_start3A_91, %dma_start3A_92] : memref<8x128xi32, #tpu.memory_space<vmem>> -> memref<1x128xi32, #tpu.memory_space<vmem>>
      %dma_start3A_94 = tpu.memref_squeeze %dma_start3A_93 : memref<1x128xi32, #tpu.memory_space<vmem>> -> memref<128xi32, #tpu.memory_space<vmem>>
      %dma_start3A_95 = arith.constant 0 : i32
      %dma_start3A_96 = tpu.memref_slice %arg7[%dma_start3A_95] : memref<51200xf32, #tpu.memory_space<vmem_shared>> -> memref<51200xf32, #tpu.memory_space<vmem_shared>>
      tpu.enqueue_indirect_dma source(%arg6 : memref<128xf32, #tpu.memory_space<vmem>>) target(%dma_start3A_96 : memref<51200xf32, #tpu.memory_space<vmem_shared>>) offsets(%dma_start3A_94 : memref<128xi32, #tpu.memory_space<vmem>>) semaphore(%arg8 : memref<!tpu.dma_semaphore, #tpu.memory_space<semaphore_mem>>) {add = true}
      %dma_start3A_97 = arith.constant 5 : i32
      %dma_start3A_98 = arith.constant 0 : i32
      %dma_start3A_99 = tpu.memref_slice %arg5[%dma_start3A_97, %dma_start3A_98] : memref<8x128xi32, #tpu.memory_space<vmem>> -> memref<1x128xi32, #tpu.memory_space<vmem>>
      %dma_start3A_100 = tpu.memref_squeeze %dma_start3A_99 : memref<1x128xi32, #tpu.memory_space<vmem>> -> memref<128xi32, #tpu.memory_space<vmem>>
      %dma_start3A_101 = arith.constant 0 : i32
      %dma_start3A_102 = tpu.memref_slice %arg7[%dma_start3A_101] : memref<51200xf32, #tpu.memory_space<vmem_shared>> -> memref<51200xf32, #tpu.memory_space<vmem_shared>>
      tpu.enqueue_indirect_dma source(%arg6 : memref<128xf32, #tpu.memory_space<vmem>>) target(%dma_start3A_102 : memref<51200xf32, #tpu.memory_space<vmem_shared>>) offsets(%dma_start3A_100 : memref<128xi32, #tpu.memory_space<vmem>>) semaphore(%arg8 : memref<!tpu.dma_semaphore, #tpu.memory_space<semaphore_mem>>) {add = true}
      %dma_start3A_103 = arith.constant 6 : i32
      %dma_start3A_104 = arith.constant 0 : i32
      %dma_start3A_105 = tpu.memref_slice %arg5[%dma_start3A_103, %dma_start3A_104] : memref<8x128xi32, #tpu.memory_space<vmem>> -> memref<1x128xi32, #tpu.memory_space<vmem>>
      %dma_start3A_106 = tpu.memref_squeeze %dma_start3A_105 : memref<1x128xi32, #tpu.memory_space<vmem>> -> memref<128xi32, #tpu.memory_space<vmem>>
      %dma_start3A_107 = arith.constant 0 : i32
      %dma_start3A_108 = tpu.memref_slice %arg7[%dma_start3A_107] : memref<51200xf32, #tpu.memory_space<vmem_shared>> -> memref<51200xf32, #tpu.memory_space<vmem_shared>>
      tpu.enqueue_indirect_dma source(%arg6 : memref<128xf32, #tpu.memory_space<vmem>>) target(%dma_start3A_108 : memref<51200xf32, #tpu.memory_space<vmem_shared>>) offsets(%dma_start3A_106 : memref<128xi32, #tpu.memory_space<vmem>>) semaphore(%arg8 : memref<!tpu.dma_semaphore, #tpu.memory_space<semaphore_mem>>) {add = true}
      %dma_start3A_109 = arith.constant 7 : i32
      %dma_start3A_110 = arith.constant 0 : i32
      %dma_start3A_111 = tpu.memref_slice %arg5[%dma_start3A_109, %dma_start3A_110] : memref<8x128xi32, #tpu.memory_space<vmem>> -> memref<1x128xi32, #tpu.memory_space<vmem>>
      %dma_start3A_112 = tpu.memref_squeeze %dma_start3A_111 : memref<1x128xi32, #tpu.memory_space<vmem>> -> memref<128xi32, #tpu.memory_space<vmem>>
      %dma_start3A_113 = arith.constant 0 : i32
      %dma_start3A_114 = tpu.memref_slice %arg7[%dma_start3A_113] : memref<51200xf32, #tpu.memory_space<vmem_shared>> -> memref<51200xf32, #tpu.memory_space<vmem_shared>>
      tpu.enqueue_indirect_dma source(%arg6 : memref<128xf32, #tpu.memory_space<vmem>>) target(%dma_start3A_114 : memref<51200xf32, #tpu.memory_space<vmem_shared>>) offsets(%dma_start3A_112 : memref<128xi32, #tpu.memory_space<vmem>>) semaphore(%arg8 : memref<!tpu.dma_semaphore, #tpu.memory_space<semaphore_mem>>) {add = true}
      %dma_wait3A = arith.constant 0 : i32
      %dma_wait3A_115 = arith.constant 0 : i32
      %dma_wait3A_116 = tpu.memref_slice %arg5[%dma_wait3A, %dma_wait3A_115] : memref<8x128xi32, #tpu.memory_space<vmem>> -> memref<1x128xi32, #tpu.memory_space<vmem>>
      %dma_wait3A_117 = tpu.memref_squeeze %dma_wait3A_116 : memref<1x128xi32, #tpu.memory_space<vmem>> -> memref<128xi32, #tpu.memory_space<vmem>>
      %dma_wait3A_118 = arith.constant 0 : i32
      %dma_wait3A_119 = tpu.memref_slice %arg7[%dma_wait3A_118] : memref<51200xf32, #tpu.memory_space<vmem_shared>> -> memref<51200xf32, #tpu.memory_space<vmem_shared>>
      tpu.wait_indirect_dma semaphore(%arg8 : memref<!tpu.dma_semaphore, #tpu.memory_space<semaphore_mem>>) src(%arg6 : memref<128xf32, #tpu.memory_space<vmem>>) dst(%dma_wait3A_119 : memref<51200xf32, #tpu.memory_space<vmem_shared>>)
      %dma_wait3A_120 = arith.constant 1 : i32
      %dma_wait3A_121 = arith.constant 0 : i32
      %dma_wait3A_122 = tpu.memref_slice %arg5[%dma_wait3A_120, %dma_wait3A_121] : memref<8x128xi32, #tpu.memory_space<vmem>> -> memref<1x128xi32, #tpu.memory_space<vmem>>
      %dma_wait3A_123 = tpu.memref_squeeze %dma_wait3A_122 : memref<1x128xi32, #tpu.memory_space<vmem>> -> memref<128xi32, #tpu.memory_space<vmem>>
      %dma_wait3A_124 = arith.constant 0 : i32
      %dma_wait3A_125 = tpu.memref_slice %arg7[%dma_wait3A_124] : memref<51200xf32, #tpu.memory_space<vmem_shared>> -> memref<51200xf32, #tpu.memory_space<vmem_shared>>
      tpu.wait_indirect_dma semaphore(%arg8 : memref<!tpu.dma_semaphore, #tpu.memory_space<semaphore_mem>>) src(%arg6 : memref<128xf32, #tpu.memory_space<vmem>>) dst(%dma_wait3A_125 : memref<51200xf32, #tpu.memory_space<vmem_shared>>)
      %dma_wait3A_126 = arith.constant 2 : i32
      %dma_wait3A_127 = arith.constant 0 : i32
      %dma_wait3A_128 = tpu.memref_slice %arg5[%dma_wait3A_126, %dma_wait3A_127] : memref<8x128xi32, #tpu.memory_space<vmem>> -> memref<1x128xi32, #tpu.memory_space<vmem>>
      %dma_wait3A_129 = tpu.memref_squeeze %dma_wait3A_128 : memref<1x128xi32, #tpu.memory_space<vmem>> -> memref<128xi32, #tpu.memory_space<vmem>>
      %dma_wait3A_130 = arith.constant 0 : i32
      %dma_wait3A_131 = tpu.memref_slice %arg7[%dma_wait3A_130] : memref<51200xf32, #tpu.memory_space<vmem_shared>> -> memref<51200xf32, #tpu.memory_space<vmem_shared>>
      tpu.wait_indirect_dma semaphore(%arg8 : memref<!tpu.dma_semaphore, #tpu.memory_space<semaphore_mem>>) src(%arg6 : memref<128xf32, #tpu.memory_space<vmem>>) dst(%dma_wait3A_131 : memref<51200xf32, #tpu.memory_space<vmem_shared>>)
      %dma_wait3A_132 = arith.constant 3 : i32
      %dma_wait3A_133 = arith.constant 0 : i32
      %dma_wait3A_134 = tpu.memref_slice %arg5[%dma_wait3A_132, %dma_wait3A_133] : memref<8x128xi32, #tpu.memory_space<vmem>> -> memref<1x128xi32, #tpu.memory_space<vmem>>
      %dma_wait3A_135 = tpu.memref_squeeze %dma_wait3A_134 : memref<1x128xi32, #tpu.memory_space<vmem>> -> memref<128xi32, #tpu.memory_space<vmem>>
      %dma_wait3A_136 = arith.constant 0 : i32
      %dma_wait3A_137 = tpu.memref_slice %arg7[%dma_wait3A_136] : memref<51200xf32, #tpu.memory_space<vmem_shared>> -> memref<51200xf32, #tpu.memory_space<vmem_shared>>
      tpu.wait_indirect_dma semaphore(%arg8 : memref<!tpu.dma_semaphore, #tpu.memory_space<semaphore_mem>>) src(%arg6 : memref<128xf32, #tpu.memory_space<vmem>>) dst(%dma_wait3A_137 : memref<51200xf32, #tpu.memory_space<vmem_shared>>)
      %dma_wait3A_138 = arith.constant 4 : i32
      %dma_wait3A_139 = arith.constant 0 : i32
      %dma_wait3A_140 = tpu.memref_slice %arg5[%dma_wait3A_138, %dma_wait3A_139] : memref<8x128xi32, #tpu.memory_space<vmem>> -> memref<1x128xi32, #tpu.memory_space<vmem>>
      %dma_wait3A_141 = tpu.memref_squeeze %dma_wait3A_140 : memref<1x128xi32, #tpu.memory_space<vmem>> -> memref<128xi32, #tpu.memory_space<vmem>>
      %dma_wait3A_142 = arith.constant 0 : i32
      %dma_wait3A_143 = tpu.memref_slice %arg7[%dma_wait3A_142] : memref<51200xf32, #tpu.memory_space<vmem_shared>> -> memref<51200xf32, #tpu.memory_space<vmem_shared>>
      tpu.wait_indirect_dma semaphore(%arg8 : memref<!tpu.dma_semaphore, #tpu.memory_space<semaphore_mem>>) src(%arg6 : memref<128xf32, #tpu.memory_space<vmem>>) dst(%dma_wait3A_143 : memref<51200xf32, #tpu.memory_space<vmem_shared>>)
      %dma_wait3A_144 = arith.constant 5 : i32
      %dma_wait3A_145 = arith.constant 0 : i32
      %dma_wait3A_146 = tpu.memref_slice %arg5[%dma_wait3A_144, %dma_wait3A_145] : memref<8x128xi32, #tpu.memory_space<vmem>> -> memref<1x128xi32, #tpu.memory_space<vmem>>
      %dma_wait3A_147 = tpu.memref_squeeze %dma_wait3A_146 : memref<1x128xi32, #tpu.memory_space<vmem>> -> memref<128xi32, #tpu.memory_space<vmem>>
      %dma_wait3A_148 = arith.constant 0 : i32
      %dma_wait3A_149 = tpu.memref_slice %arg7[%dma_wait3A_148] : memref<51200xf32, #tpu.memory_space<vmem_shared>> -> memref<51200xf32, #tpu.memory_space<vmem_shared>>
      tpu.wait_indirect_dma semaphore(%arg8 : memref<!tpu.dma_semaphore, #tpu.memory_space<semaphore_mem>>) src(%arg6 : memref<128xf32, #tpu.memory_space<vmem>>) dst(%dma_wait3A_149 : memref<51200xf32, #tpu.memory_space<vmem_shared>>)
      %dma_wait3A_150 = arith.constant 6 : i32
      %dma_wait3A_151 = arith.constant 0 : i32
      %dma_wait3A_152 = tpu.memref_slice %arg5[%dma_wait3A_150, %dma_wait3A_151] : memref<8x128xi32, #tpu.memory_space<vmem>> -> memref<1x128xi32, #tpu.memory_space<vmem>>
      %dma_wait3A_153 = tpu.memref_squeeze %dma_wait3A_152 : memref<1x128xi32, #tpu.memory_space<vmem>> -> memref<128xi32, #tpu.memory_space<vmem>>
      %dma_wait3A_154 = arith.constant 0 : i32
      %dma_wait3A_155 = tpu.memref_slice %arg7[%dma_wait3A_154] : memref<51200xf32, #tpu.memory_space<vmem_shared>> -> memref<51200xf32, #tpu.memory_space<vmem_shared>>
      tpu.wait_indirect_dma semaphore(%arg8 : memref<!tpu.dma_semaphore, #tpu.memory_space<semaphore_mem>>) src(%arg6 : memref<128xf32, #tpu.memory_space<vmem>>) dst(%dma_wait3A_155 : memref<51200xf32, #tpu.memory_space<vmem_shared>>)
      %dma_wait3A_156 = arith.constant 7 : i32
      %dma_wait3A_157 = arith.constant 0 : i32
      %dma_wait3A_158 = tpu.memref_slice %arg5[%dma_wait3A_156, %dma_wait3A_157] : memref<8x128xi32, #tpu.memory_space<vmem>> -> memref<1x128xi32, #tpu.memory_space<vmem>>
      %dma_wait3A_159 = tpu.memref_squeeze %dma_wait3A_158 : memref<1x128xi32, #tpu.memory_space<vmem>> -> memref<128xi32, #tpu.memory_space<vmem>>
      %dma_wait3A_160 = arith.constant 0 : i32
      %dma_wait3A_161 = tpu.memref_slice %arg7[%dma_wait3A_160] : memref<51200xf32, #tpu.memory_space<vmem_shared>> -> memref<51200xf32, #tpu.memory_space<vmem_shared>>
      tpu.wait_indirect_dma semaphore(%arg8 : memref<!tpu.dma_semaphore, #tpu.memory_space<semaphore_mem>>) src(%arg6 : memref<128xf32, #tpu.memory_space<vmem>>) dst(%dma_wait3A_161 : memref<51200xf32, #tpu.memory_space<vmem_shared>>)
    }
    %scan3A_53 = arith.constant 25 : i32
    %barrier3A_54 = arith.constant 0 : index
    tpu.barrier barrier_id(%barrier3A_54)
    %eq3A_55 = arith.constant 0 : i32
    %eq3A_56 = arith.cmpi eq, %arg0, %eq3A_55 : i32
    %convert_element_type3A_57 = arith.extui %eq3A_56 : i1 to i32
    %cond3A_58 = arith.constant 0 : i32
    %cond3A_59 = arith.cmpi ne, %convert_element_type3A_57, %cond3A_58 : i32
    scf.if %cond3A_59 {
      %mul3A_65 = arith.constant 3200 : i32
      %mul3A_66 = arith.muli %arg1, %mul3A_65 : i32
      %multiple_of3A = tpu.assume_multiple %mul3A_66, 128 : i32
      %run_scoped3A = arith.constant 0 : i32
      "tpu.region"() ({
        %run_scoped3A_67 = tpu.sem_alloc : memref<!tpu.dma_semaphore, #tpu.memory_space<semaphore_mem>>
        %dma_start3A = arith.constant 0 : i32
        %dma_start3A_68 = tpu.memref_slice %arg4[%run_scoped3A, %dma_start3A] : memref<2x51200xf32, #tpu.memory_space<hbm>> -> memref<1x51200xf32, #tpu.memory_space<hbm>>
        %dma_start3A_69 = tpu.memref_squeeze %dma_start3A_68 : memref<1x51200xf32, #tpu.memory_space<hbm>> -> memref<51200xf32, #tpu.memory_space<hbm>>
        %dma_start3A_70 = tpu.memref_slice %dma_start3A_69[%multiple_of3A] : memref<51200xf32, #tpu.memory_space<hbm>> -> memref<3200xf32, #tpu.memory_space<hbm>>
        %dma_start3A_71 = tpu.memref_slice %arg7[%multiple_of3A] : memref<51200xf32, #tpu.memory_space<vmem_shared>> -> memref<3200xf32, #tpu.memory_space<vmem_shared>>
        tpu.enqueue_dma source(%dma_start3A_71 : memref<3200xf32, #tpu.memory_space<vmem_shared>>) target(%dma_start3A_70 : memref<3200xf32, #tpu.memory_space<hbm>>) target_semaphore(%run_scoped3A_67 : memref<!tpu.dma_semaphore, #tpu.memory_space<semaphore_mem>>)
        %dma_wait3A = arith.constant 0 : i32
        %dma_wait3A_72 = tpu.memref_slice %arg4[%run_scoped3A, %dma_wait3A] : memref<2x51200xf32, #tpu.memory_space<hbm>> -> memref<1x51200xf32, #tpu.memory_space<hbm>>
        %dma_wait3A_73 = tpu.memref_squeeze %dma_wait3A_72 : memref<1x51200xf32, #tpu.memory_space<hbm>> -> memref<51200xf32, #tpu.memory_space<hbm>>
        %dma_wait3A_74 = tpu.memref_slice %dma_wait3A_73[%multiple_of3A] : memref<51200xf32, #tpu.memory_space<hbm>> -> memref<3200xf32, #tpu.memory_space<hbm>>
        %dma_wait3A_75 = tpu.memref_slice %arg7[%multiple_of3A] : memref<51200xf32, #tpu.memory_space<vmem_shared>> -> memref<3200xf32, #tpu.memory_space<vmem_shared>>
        tpu.wait_dma2 semaphore(%run_scoped3A_67 : memref<!tpu.dma_semaphore, #tpu.memory_space<semaphore_mem>>) src(%dma_wait3A_75 : memref<3200xf32, #tpu.memory_space<vmem_shared>>) dst(%dma_wait3A_74 : memref<3200xf32, #tpu.memory_space<hbm>>)
        tpu.yield
      }) : () -> ()
    } else {
    }
    %eq3A_60 = arith.constant 1 : i32
    %eq3A_61 = arith.cmpi eq, %arg0, %eq3A_60 : i32
    %convert_element_type3A_62 = arith.extui %eq3A_61 : i1 to i32
    %cond3A_63 = arith.constant 0 : i32
    %cond3A_64 = arith.cmpi ne, %convert_element_type3A_62, %cond3A_63 : i32
    scf.if %cond3A_64 {
      %mul3A_65 = arith.constant 3200 : i32
      %mul3A_66 = arith.muli %arg1, %mul3A_65 : i32
      %multiple_of3A = tpu.assume_multiple %mul3A_66, 128 : i32
      %run_scoped3A = arith.constant 1 : i32
      "tpu.region"() ({
        %run_scoped3A_67 = tpu.sem_alloc : memref<!tpu.dma_semaphore, #tpu.memory_space<semaphore_mem>>
        %dma_start3A = arith.constant 0 : i32
        %dma_start3A_68 = tpu.memref_slice %arg4[%run_scoped3A, %dma_start3A] : memref<2x51200xf32, #tpu.memory_space<hbm>> -> memref<1x51200xf32, #tpu.memory_space<hbm>>
        %dma_start3A_69 = tpu.memref_squeeze %dma_start3A_68 : memref<1x51200xf32, #tpu.memory_space<hbm>> -> memref<51200xf32, #tpu.memory_space<hbm>>
        %dma_start3A_70 = tpu.memref_slice %dma_start3A_69[%multiple_of3A] : memref<51200xf32, #tpu.memory_space<hbm>> -> memref<3200xf32, #tpu.memory_space<hbm>>
        %dma_start3A_71 = tpu.memref_slice %arg7[%multiple_of3A] : memref<51200xf32, #tpu.memory_space<vmem_shared>> -> memref<3200xf32, #tpu.memory_space<vmem_shared>>
        tpu.enqueue_dma source(%dma_start3A_71 : memref<3200xf32, #tpu.memory_space<vmem_shared>>) target(%dma_start3A_70 : memref<3200xf32, #tpu.memory_space<hbm>>) target_semaphore(%run_scoped3A_67 : memref<!tpu.dma_semaphore, #tpu.memory_space<semaphore_mem>>)
        %dma_wait3A = arith.constant 0 : i32
        %dma_wait3A_72 = tpu.memref_slice %arg4[%run_scoped3A, %dma_wait3A] : memref<2x51200xf32, #tpu.memory_space<hbm>> -> memref<1x51200xf32, #tpu.memory_space<hbm>>
        %dma_wait3A_73 = tpu.memref_squeeze %dma_wait3A_72 : memref<1x51200xf32, #tpu.memory_space<hbm>> -> memref<51200xf32, #tpu.memory_space<hbm>>
        %dma_wait3A_74 = tpu.memref_slice %dma_wait3A_73[%multiple_of3A] : memref<51200xf32, #tpu.memory_space<hbm>> -> memref<3200xf32, #tpu.memory_space<hbm>>
        %dma_wait3A_75 = tpu.memref_slice %arg7[%multiple_of3A] : memref<51200xf32, #tpu.memory_space<vmem_shared>> -> memref<3200xf32, #tpu.memory_space<vmem_shared>>
        tpu.wait_dma2 semaphore(%run_scoped3A_67 : memref<!tpu.dma_semaphore, #tpu.memory_space<semaphore_mem>>) src(%dma_wait3A_75 : memref<3200xf32, #tpu.memory_space<vmem_shared>>) dst(%dma_wait3A_74 : memref<3200xf32, #tpu.memory_space<hbm>>)
        tpu.yield
      }) : () -> ()
    } else {
    }
    return
  }
}

</mosaic_0001>

<sc_bundles>
// kernel: _sc_degree.3.cloned.1.call-start
scs
__scs_entry_jumppad:
0x0: {  	(pc) =	sbr.rel $0x88, $3  }
0x1: {  	(tag) =	ssettag $0x0;
	lr =	simm.s32 $0x1  }
0x2: {  	[smem:$0x3F9F] =	sst lr;
	_ =	strace $0xD0000000  }
0x3: {  	_ = 	snop  }
0x4: {  	_ = 	snop  }
0x5: {  	_ = 	snop  }
0x6: {  	_ = 	snop  }
0x7: {  	_ = 	snop  }
__scs_overlays_trampoline_lowered:
0x8: {  	[smem:$0x3FAE] =	sst s0  }
0x9: {  	[smem:$0x3FAF] =	sst s1  }
0xa: {  	[smem:$0x3FB0] =	sst s2  }
0xb: {  	[smem:$0x3FB1] =	sst s3  }
0xc: {  	[smem:$0x3FB2] =	sst s4  }
0xd: {  	[smem:$0x3FB3] =	sst s5  }
0xe: {  	[smem:$0x3FB4] =	sst s6  }
0xf: {  	[smem:$0x3FB5] =	sst s7  }
0x10: {  	[smem:$0x3FB6] =	sst s8  }
0x11: {  	[smem:$0x3FB7] =	sst s9;
	s0 =	simm.s32 @!p0 $0x0  }
0x12: {  	s1 =	sld [smem:$0x3F9D];
	s0 =	simm.s32 @p0 $0x1  }
0x13: {  	[smem:$0x3FB8] =	sst s0;
	s0 =	simm.s32 @!p1 $0x0  }
0x14: {  	s2 =	sld [smem:$0x3F9C];
	s0 =	simm.s32 @p1 $0x1  }
0x15: {  	[smem:$0x3FB9] =	sst s0;
	s0 =	simm.s32 @!p2 $0x0  }
0x16: {  	s3 =	sld [smem:$0x3FDB];
	s0 =	simm.s32 @p2 $0x1  }
0x17: {  	s4 =	simm.s32 $0x1BF5;
	[smem:$0x3FBB] =	sst s0  }
0x18: {  	s0 =	sld [smem:$0x3F9E];
	_ =	swait.ge [sflag:s4], $0x0  }
0x19: {  	s7 =	sld [smem:$0x3F9F]  }
0x1a: {  	s8 =	sadd.s32 $0xFFFFE003, lr  }
0x1b: {  	s9 =	sadd.s32 $0xFFFFFEF7, lr;
	s5 =	simm.s32 $0xFFFFFFFF;
	p2 =	slt.u32 s8, $0xFFFFF086  }
0x1c: {  	p1 =	slt.u32 s9, $0xF7A;
	s5 =	simm.s32 @!p2 $0x0  }
0x1d: {  	s5 =	simm.s32 @p1 $0x1;
	p0 =	seq.s32 s7, s2  }
0x1e: {  	s7 =	smul.u32 @!p0 $0xF7A, s2;
	p2 =	seq.s32 @!p0 s5, $0x0  }
0x1f: {  	s9 =	smul.u32 $0xF7A, s1;
	s8 =	simm.s32 @!p0 $0x1BF5;
	p2 =	por !p2, p0  }
0x20: {  	[sflag:s8] =	ssyncset.s32 @!p0 $0xFFFFF086;
	s6 =	sadd.s32 @!p0 s3, s7;
	s7 =	simm.s32 @!p0 $0x108  }
0x21: {  	s3 =	sadd.s32 s3, s9;
	s6 =	sadd.s32 @!p0 $0x88, s6;
	s7 =	simm.s32 @p2 $0x1082  }
0x22: {  	[simem:s7], [sflag:s8] =	dma.local @!p0 [hbm:s6], $0xF7A  }
0x23: {  	s9 =	sor.u32 $0xD0000000, s2;
	s6 =	simm.s32 $0x108;
	_ =	swait.ge @!p0 [sflag:s8], $0x0  }
0x24: {  	s3 =	sadd.s32 $0x88, s3;
	s6 =	simm.s32 @!p1 $0x1082;
	[sflag:s4] =	ssyncset.s32 $0xFFFFF086  }
0x25: {  	[simem:s6], [sflag:s4] =	dma.local [hbm:s3], $0xF7A  }
0x26: {  	[smem:$0x3F9F] =	sst s1;
	(tag) =	ssettag s2;
	_ =	strace s9  }
0x27: {  	s1 =	sld [smem:$0x3FAF]  }
0x28: {  	s2 =	sld [smem:$0x3FB0]  }
0x29: {  	s4 =	sld [smem:$0x3FB2]  }
0x2a: {  	p0 =	seq.s32 s5, $0x0;
	s5 =	sld [smem:$0x3FB3]  }
0x2b: {  	s6 =	sld [smem:$0x3FB4]  }
0x2c: {  	s7 =	sld [smem:$0x3FB5]  }
0x2d: {  	s3 =	simm.s32 $0x108;
	s8 =	sld [smem:$0x3FB6]  }
0x2e: {  	s3 =	simm.s32 @!p0 $0x1082;
	s9 =	sld [smem:$0x3FB7]  }
0x2f: {  	lr =	sadd.s32 s0, s3;
	s0 =	sld [smem:$0x3FAE]  }
0x30: {  	s3 =	sld [smem:$0x3FB1]  }
0x31: {  	[smem:$0x3FBA] =	sst s10  }
0x32: {  	s10 =	sld [smem:$0x3FB8];
	_ =	sdelay $0x3  }
0x33: {  	p0 =	seq.s32 s10, $0x1;
	s10 =	sld [smem:$0x3FBA];
	_ =	sdelay $0x3  }
0x34: {  	[smem:$0x3FBA] =	sst s10  }
0x35: {  	s10 =	sld [smem:$0x3FB9];
	_ =	sdelay $0x3  }
0x36: {  	p1 =	seq.s32 s10, $0x1;
	s10 =	sld [smem:$0x3FBA];
	_ =	sdelay $0x3  }
0x37: {  	[smem:$0x3FBA] =	sst s10  }
0x38: {  	s10 =	sld [smem:$0x3FBB]  }
0x39: {  	_ = 	snop;
	(pc) =	sbr.ind lr, $3  }
0x3a: {  	_ = 	snop  }
0x3b: {  	_ = 	snop  }
0x3c: {  	p2 =	seq.s32 s10, $0x1;
	s10 =	sld [smem:$0x3FBA]  }
0x3d: {  	_ =	shalt  }
0x3e: {  	_ =	shalt  }
0x3f: {  	_ =	shalt  }
0x40: {  	_ =	shalt  }
0x41: {  	_ =	shalt  }
0x42: {  	_ =	shalt  }
0x43: {  	_ =	shalt  }
0x44: {  	_ =	shalt  }
0x45: {  	_ =	shalt  }
0x46: {  	_ =	shalt  }
0x47: {  	_ =	shalt  }
0x48: {  	_ =	shalt  }
0x49: {  	_ =	shalt  }
0x4a: {  	_ =	shalt  }
0x4b: {  	_ =	shalt  }
0x4c: {  	_ =	shalt  }
0x4d: {  	_ =	shalt  }
0x4e: {  	_ =	shalt  }
0x4f: {  	_ =	shalt  }
0x50: {  	_ =	shalt  }
0x51: {  	_ =	shalt  }
0x52: {  	_ =	shalt  }
0x53: {  	_ =	shalt  }
0x54: {  	_ =	shalt  }
0x55: {  	_ =	shalt  }
0x56: {  	_ =	shalt  }
0x57: {  	_ =	shalt  }
0x58: {  	_ =	shalt  }
0x59: {  	_ =	shalt  }
0x5a: {  	_ =	shalt  }
0x5b: {  	_ =	shalt  }
0x5c: {  	_ =	shalt  }
0x5d: {  	_ =	shalt  }
0x5e: {  	_ =	shalt  }
0x5f: {  	_ =	shalt  }
0x60: {  	_ =	shalt  }
0x61: {  	_ =	shalt  }
0x62: {  	_ =	shalt  }
0x63: {  	_ =	shalt  }
0x64: {  	_ =	shalt  }
0x65: {  	_ =	shalt  }
0x66: {  	_ =	shalt  }
0x67: {  	_ =	shalt  }
0x68: {  	_ =	shalt  }
0x69: {  	_ =	shalt  }
0x6a: {  	_ =	shalt  }
0x6b: {  	_ =	shalt  }
0x6c: {  	_ =	shalt  }
0x6d: {  	_ =	shalt  }
0x6e: {  	_ =	shalt  }
0x6f: {  	_ =	shalt  }
0x70: {  	_ =	shalt  }
0x71: {  	_ =	shalt  }
0x72: {  	_ =	shalt  }
0x73: {  	_ =	shalt  }
0x74: {  	_ =	shalt  }
0x75: {  	_ =	shalt  }
0x76: {  	_ =	shalt  }
0x77: {  	_ =	shalt  }
0x78: {  	_ =	shalt  }
0x79: {  	_ =	shalt  }
0x7a: {  	_ =	shalt  }
0x7b: {  	_ =	shalt  }
0x7c: {  	_ =	shalt  }
0x7d: {  	_ =	shalt  }
0x7e: {  	_ =	shalt  }
0x7f: {  	_ =	shalt  }
0x80: {  	_ =	shalt  }
0x81: {  	_ =	shalt  }
0x82: {  	_ =	shalt  }
0x83: {  	_ =	shalt  }
0x84: {  	_ =	shalt  }
0x85: {  	_ =	shalt  }
0x86: {  	_ =	shalt  }
0x87: {  	_ =	shalt  }
.Lfunc_end0:
.L_simem_size_0:
called_computation_lowered:
.L_overlay_start_0:
0x88: {  	s2 =	sld [smem:$0x3FD9]  }
0x89: {  	s3 =	sld [smem:$0x3FFE];
	_ =	sdelay $0x1  }
0x8a: {  	s1 =	srdreg.scid  }
0x8b: {  	s0 =	sand.u32 $0x1, s1  }
0x8c: {  	s18 =	sshll.u32 s0, $0xA;
	s2 =	sadd.s32 s3, s2  }
0x8d: {  	s2 =	sadd.s32 s2, s18  }
0x8e: {  	[smem:$0x3FC6] =	sst s2  }
0x8f: {  	_ = 	snop  }
0x90: {  	s2 =	sld [smem:$0x3FC9]  }
0x91: {  	s19 =	sld [smem:$0x3FC8]  }
0x92: {  	s4 =	sld [smem:$0x3FD0];
	(tm) =	ssettm $0x1  }
0x93: {  	s5 =	sld [smem:$0x3FFB];
	_ =	sdelay $0x3  }
0x94: {  	_ =	strace s5  }
0x95: {  	s5 =	sld [smem:$0x3FFC];
	_ =	sdelay $0x3  }
0x96: {  	_ =	strace s5  }
0x97: {  	s5 =	sld [smem:$0x3FFD];
	_ =	sdelay $0x3  }
0x98: {  	_ =	strace s5  }
0x99: {  	_ =	strace $0x8FFFFFFF  }
0x9a: {  	s20 =	sld [smem:$0x3FDB];
	_ =	sdelay $0x1  }
0x9b: {  	s6 =	simm.s32 $_scs_section_size  }
0x9c: {  	s7 =	simm.s32 $_size__tile_overlayer_lowered;
	s8 =	simm.s32 $_tile_overlayer_lowered  }
0x9d: {  	s23 =	simm.s32 $0x1BFF;
	s22 =	sshll.u32 s8, $0x1;
	s5 =	sadd.s32 s6, s20  }
0x9e: {  	s9 =	simm.s32 $0x0;
	s21 =	sshll.u32 s7, $0x1;
	s7 =	sadd.s32 s22, s5  }
0x9f: {  	[timem:s9], [sflag:s23] =	dma.local [hbm:s7], s21  }
0xa0: {  	_ =	swait.ge [sflag:s23], s21  }
0xa1: {  	s6 =	ssub.s32 $0x0, s21;
	[sflag:s23] =	ssyncset.done $0x0  }
0xa2: {  	[sflag:s23] =	ssyncadd.s32 s6;
	_ =	sdelay $0x1  }
0xa3: {  	s24 =	simm.s32 $0x1B8B  }
0xa4: {  	_ =	swait.ge [sflag:s24], $0x1  }
0xa5: {  	[sflag:s24] =	ssyncset.done $0x0  }
0xa6: {  	s25 =	simm.s32 $0x1B8E;
	[sflag:s24] =	ssyncadd.s32 $0xFFFFFFFF  }
0xa7: {  	s26 =	simm.s32 $execute0_lowered;
	[smem:$0x3FD2] =	sst s25  }
0xa8: {  	s6 =	sshll.u32 s26, $0x1;
	_ =	strace $0x80000046;
	[dreg:$0x1] =	wrdreg $0xFFFFFFFF  }
0xa9: {  	s28 =	simm.s32 $_size_execute0_lowered;
	s5 =	sadd.s32 s5, s6;
	[dreg:$0x0] =	wrdreg $0x0  }
0xaa: {  	s6 =	sshll.u32 s28, $0x1;
	[dreg:$0x2] =	wrdreg s5  }
0xab: {  	[dreg:$0x3] =	wrdreg s6  }
0xac: {  	[dreg:$0x4] =	wrdreg $0xC0  }
0xad: {  	_ =	task [dreg:s9], $0x5FFFF  }
0xae: {  	[dreg:$0x1] =	wrdreg $0xFFFFFFFF  }
0xaf: {  	[dreg:$0x0] =	wrdreg $0x60  }
0xb0: {  	[dreg:$0x2] =	wrdreg s2  }
0xb1: {  	[dreg:$0x3] =	wrdreg s19  }
0xb2: {  	[dreg:$0x4] =	wrdreg s4  }
0xb3: {  	[dreg:$0x5] =	wrdreg $0x4800  }
0xb4: {  	[dreg:$0x6] =	wrdreg $0x9  }
0xb5: {  	_ =	task.clear_ibuf [dreg:s9], $0x7FFFF;
	_ =	strace $0x90000046  }
0xb6: {  	s29 =	simm.s32 $0x9;
	_ =	strace $0x80000048  }
0xb7: {  	_ =	swait.ge [sflag:s29], $0x1  }
0xb8: {  	[sflag:s29] =	ssyncadd.s32 $0xFFFFFFFF  }
0xb9: {  	_ =	strace $0x90000048  }
0xba: {  	_ =	sfence  }
0xbb: {  	s30 =	sld [smem:$0x0];
	_ =	sdelay $0x2  }
0xbc: {  	s31 =	sshll.u32 s1, $0xD;
	s1 =	sshrl.u32 s1, $0x2  }
0xbd: {  	s3 =	sand.u32 $0x4000, s31;
	s1 =	sadd.s32 s1, s30  }
0xbe: {  	s0 =	sor.u32 s3, s0;
	s1 =	sshll.u32 s1, $0x11  }
0xbf: {  	s0 =	sor.u32 s1, s0  }
0xc0: {  	s0 =	sadd.s32 $0x8F2B, s0  }
0xc1: {  	[sflag:s0] =	ssyncadd.remote.s32 $0x1  }
0xc2: {  	_ =	sfence.sel $0xFFFF  }
0xc3: {  	[dreg:$0x0] =	wrdreg $0xFFFFFFFF;
	(pc) =	sbr.abs _section_cstart, $3  }
0xc4: {  	[dreg:$0x1] =	wrdreg $0xFFFFFFFF  }
0xc5: {  	_ =	task.clear_ibuf [dreg:s9], $0x2FFFF;
	_ =	strace $0x9FFFFFFF  }
0xc6: {  	(tm) =	ssettm $0x7FFFFFFF  }
0xc7: {  	_ =	shalt  }
tec
execute0_lowered:
.L_overlay_start_1:
0x0: {  	(tag) =	ssettag $0x1  }
0x1: {  	s4 =	rddreg [dreg:$0x0]  }
0x2: {  	s0 =	rddreg [dreg:$0x1]  }
0x3: {  	s6 =	rddreg [dreg:$0x2];
	s1 =	srdreg.scid  }
0x4: {  	s18 =	stileid.u32;
	s2 =	rddreg [dreg:$0x3];
	s11 =	simm.s32 $0x100  }
0x5: {  	s12 =	simm.s32 $0x180;
	s13 =	simm.s32 $0x200;
	s14 =	simm.s32 $0x280  }
0x6: {  	s15 =	simm.s32 $0x300;
	s16 =	simm.s32 $0x380;
	s17 =	simm.s32 $0x1  }
0x7: {  	s22 =	simm.s32 $0x0;
	s5 =	sand.u32 $0x1, s1;
	s10 =	smul.u32 $0x3200, s18  }
0x8: {  	s3 =	sshll.u32 s18, $0x1;
	s1 =	rddreg [dreg:$0x4];
	s19 =	smul.u32 $0x320, s18  }
0x9: {  	p0 =	sne.s32 s18, $0x0;
	s21 =	sadd.s32 $0x10, s6;
	s18 =	sshll.u32 s18, $0x6  }
0xa: {  	s7 =	sor.u32 s5, s3;
	s3 =	simm.s32 $0x0;
	s8 =	ssub.s32 $0x2, s5  }
0xb: {  	p1 =	seq.s32 s5, $0x1;
	s18 =	sor.u32 $0x1C02, s18;
	s7 =	smul.u32 $0xC80, s7  }
0xc: {  	[smem:$0x7FF] =	sst s3;
	s9 =	sshrl.u32 s8, $0x1;
	s31 =	sshrl.u32 s10, $0x2  }
0xd: {  	s5 =	sadd.s32 s6, s19;
	s10 =	simm.s32 $0x400;
	s19 =	sadd.s32 @p1 s19, s21  }
0xe: {  	s21 =	simm.s32 $0x10;
	_ =	strace $0x80000047;
	s8 =	ssub.s32 s8, s9  }
0xf: {  	s20 =	sadd.s32 s31, s2;
	s9 =	simm.s32 $0x80;
	s5 =	smov.u32 @p1 s19  }
0x10: {  	s4 =	sadd.s32 s4, s7;
	s6 =	smax.u32 s8, $0x1;
	s7 =	sshrl.u32 @!p0 s2, $0x3  }
0x11: {  	v0 =	vimm.f32 $1.000000000e+00;
	s8 =	simm.s32 $0x2;
	s19 =	sshrl.u32 s20, $0x3;
	s20 =	simm.s32 $0x20  }
.LBB2_1:
0x12: {  	[tilespmem:$0x400] =	vst v0  }
0x13: {  	[tilespmem:$0x410] =	vst v0  }
0x14: {  	[tilespmem:$0x420] =	vst v0  }
0x15: {  	[tilespmem:$0x430] =	vst v0  }
0x16: {  	[tilespmem:$0x440] =	vst v0  }
0x17: {  	[tilespmem:$0x450] =	vst v0  }
0x18: {  	[tilespmem:$0x460] =	vst v0  }
0x19: {  	[tilespmem:$0x470] =	vst v0;
	s23 =	simm.s32 @!p0 $0x1C02  }
0x1a: {  	[spmem:s7], [sflag:s23] =	dma.local @!p0 [hbm:s0], $0x1900  }
0x1b: {  	s23 =	simm.s32 @!p0 $0x2  }
0x1c: {  	_ =	swait.ge @!p0 [sflag:s23], $0x1900  }
0x1d: {  	[sflag:s23] =	ssyncset.done @!p0 $0x0  }
0x1e: {  	[sflag:s23] =	ssyncadd.s32 @!p0 $0xFFFFE700  }
0x1f: {  	s31 =	sadd.s32 $0x0, s4;
	[bflag:$0x0] =	sbarrier.arrive $0xFFFF  }
0x20: {  	[tilespmem:s3], [sflag:$0x2] =	stream.linear.gather [hbm4b:s31+s3], $0x400, $0x38;
	[tilespmem:$0x1100] =	vst v63  }
0x21: {  	_ =	swait.ge [sflag:s8], $0x400  }
0x22: {  	[sflag:s8] =	ssyncset.done $0x0  }
0x23: {  	[sflag:s8] =	ssyncadd.s32 $0xFFFFFC00  }
0x24: {  	[spmem:s2] =	stream.indirect.scatter.add.f32 [tilespmem:s10], [sflag:$0x1], $0x1, s3, s9, $0xb8;
	[tilespmem:$0x1100] =	vst v63  }
0x25: {  	_ = 	snop  }
0x26: {  	[spmem:s2] =	stream.indirect.scatter.add.f32 [tilespmem:s10], [sflag:$0x1], $0x1, s9, s9, $0xb8;
	[tilespmem:$0x1100] =	vst v63  }
0x27: {  	_ = 	snop  }
0x28: {  	[spmem:s2] =	stream.indirect.scatter.add.f32 [tilespmem:s10], [sflag:$0x1], $0x1, s11, s9, $0xb8;
	[tilespmem:$0x1100] =	vst v63  }
0x29: {  	_ = 	snop  }
0x2a: {  	[spmem:s2] =	stream.indirect.scatter.add.f32 [tilespmem:s10], [sflag:$0x1], $0x1, s12, s9, $0xb8;
	[tilespmem:$0x1100] =	vst v63  }
0x2b: {  	_ = 	snop  }
0x2c: {  	[spmem:s2] =	stream.indirect.scatter.add.f32 [tilespmem:s10], [sflag:$0x1], $0x1, s13, s9, $0xb8;
	[tilespmem:$0x1100] =	vst v63  }
0x2d: {  	_ = 	snop  }
0x2e: {  	[spmem:s2] =	stream.indirect.scatter.add.f32 [tilespmem:s10], [sflag:$0x1], $0x1, s14, s9, $0xb8;
	[tilespmem:$0x1100] =	vst v63  }
0x2f: {  	_ = 	snop  }
0x30: {  	[spmem:s2] =	stream.indirect.scatter.add.f32 [tilespmem:s10], [sflag:$0x1], $0x1, s15, s9, $0xb8;
	[tilespmem:$0x1100] =	vst v63  }
0x31: {  	_ = 	snop  }
0x32: {  	[spmem:s2] =	stream.indirect.scatter.add.f32 [tilespmem:s10], [sflag:$0x1], $0x1, s16, s9, $0xb8;
	[tilespmem:$0x1100] =	vst v63  }
0x33: {  	_ =	swait.ge [sflag:s17], $0x80  }
0x34: {  	[sflag:s17] =	ssyncset.done $0x0  }
0x35: {  	[sflag:s17] =	ssyncadd.s32 $0xFFFFFF80  }
0x36: {  	_ =	swait.ge [sflag:s17], $0x80  }
0x37: {  	[sflag:s17] =	ssyncset.done $0x0  }
0x38: {  	[sflag:s17] =	ssyncadd.s32 $0xFFFFFF80  }
0x39: {  	_ =	swait.ge [sflag:s17], $0x80  }
0x3a: {  	[sflag:s17] =	ssyncset.done $0x0  }
0x3b: {  	[sflag:s17] =	ssyncadd.s32 $0xFFFFFF80  }
0x3c: {  	_ =	swait.ge [sflag:s17], $0x80  }
0x3d: {  	[sflag:s17] =	ssyncset.done $0x0  }
0x3e: {  	[sflag:s17] =	ssyncadd.s32 $0xFFFFFF80  }
0x3f: {  	_ =	swait.ge [sflag:s17], $0x80  }
0x40: {  	[sflag:s17] =	ssyncset.done $0x0  }
0x41: {  	[sflag:s17] =	ssyncadd.s32 $0xFFFFFF80  }
0x42: {  	_ =	swait.ge [sflag:s17], $0x80  }
0x43: {  	[sflag:s17] =	ssyncset.done $0x0  }
0x44: {  	[sflag:s17] =	ssyncadd.s32 $0xFFFFFF80  }
0x45: {  	_ =	swait.ge [sflag:s17], $0x80  }
0x46: {  	[sflag:s17] =	ssyncset.done $0x0  }
0x47: {  	[sflag:s17] =	ssyncadd.s32 $0xFFFFFF80  }
0x48: {  	_ =	swait.ge [sflag:s17], $0x80  }
0x49: {  	s25 =	simm.s32 $0x100;
	s23 =	simm.s32 $0x80;
	[sflag:s17] =	ssyncset.done $0x0  }
.LBB2_2:
0x4a: {  	s26 =	sadd.s32 s23, s4  }
0x4b: {  	[sflag:s17] =	ssyncadd.s32 $0xFFFFFF80;
	s23 =	smov.u32 s25;
	s24 =	sadd.s32 $0x80, s25  }
0x4c: {  	[tilespmem:s3], [sflag:$0x2] =	stream.linear.gather [hbm4b:s26+s3], $0x400, $0x38;
	[tilespmem:$0x1100] =	vst v63  }
0x4d: {  	p1 =	sne.s32 s25, $0xC00;
	_ =	swait.ge [sflag:s8], $0x400  }
0x4e: {  	[sflag:s8] =	ssyncset.done $0x0  }
0x4f: {  	[sflag:s8] =	ssyncadd.s32 $0xFFFFFC00  }
0x50: {  	[spmem:s2] =	stream.indirect.scatter.add.f32 [tilespmem:s10], [sflag:$0x1], $0x1, s3, s9, $0xb8;
	[tilespmem:$0x1100] =	vst v63  }
0x51: {  	_ = 	snop  }
0x52: {  	[spmem:s2] =	stream.indirect.scatter.add.f32 [tilespmem:s10], [sflag:$0x1], $0x1, s9, s9, $0xb8;
	[tilespmem:$0x1100] =	vst v63  }
0x53: {  	_ = 	snop  }
0x54: {  	[spmem:s2] =	stream.indirect.scatter.add.f32 [tilespmem:s10], [sflag:$0x1], $0x1, s11, s9, $0xb8;
	[tilespmem:$0x1100] =	vst v63  }
0x55: {  	_ = 	snop  }
0x56: {  	[spmem:s2] =	stream.indirect.scatter.add.f32 [tilespmem:s10], [sflag:$0x1], $0x1, s12, s9, $0xb8;
	[tilespmem:$0x1100] =	vst v63  }
0x57: {  	_ = 	snop  }
0x58: {  	[spmem:s2] =	stream.indirect.scatter.add.f32 [tilespmem:s10], [sflag:$0x1], $0x1, s13, s9, $0xb8;
	[tilespmem:$0x1100] =	vst v63  }
0x59: {  	_ = 	snop  }
0x5a: {  	[spmem:s2] =	stream.indirect.scatter.add.f32 [tilespmem:s10], [sflag:$0x1], $0x1, s14, s9, $0xb8;
	[tilespmem:$0x1100] =	vst v63  }
0x5b: {  	_ = 	snop  }
0x5c: {  	[spmem:s2] =	stream.indirect.scatter.add.f32 [tilespmem:s10], [sflag:$0x1], $0x1, s15, s9, $0xb8;
	[tilespmem:$0x1100] =	vst v63  }
0x5d: {  	_ = 	snop  }
0x5e: {  	[spmem:s2] =	stream.indirect.scatter.add.f32 [tilespmem:s10], [sflag:$0x1], $0x1, s16, s9, $0xb8;
	[tilespmem:$0x1100] =	vst v63  }
0x5f: {  	_ =	swait.ge [sflag:s17], $0x80  }
0x60: {  	[sflag:s17] =	ssyncset.done $0x0  }
0x61: {  	[sflag:s17] =	ssyncadd.s32 $0xFFFFFF80  }
0x62: {  	_ =	swait.ge [sflag:s17], $0x80  }
0x63: {  	[sflag:s17] =	ssyncset.done $0x0  }
0x64: {  	[sflag:s17] =	ssyncadd.s32 $0xFFFFFF80  }
0x65: {  	_ =	swait.ge [sflag:s17], $0x80  }
0x66: {  	[sflag:s17] =	ssyncset.done $0x0  }
0x67: {  	[sflag:s17] =	ssyncadd.s32 $0xFFFFFF80  }
0x68: {  	_ =	swait.ge [sflag:s17], $0x80  }
0x69: {  	[sflag:s17] =	ssyncset.done $0x0  }
0x6a: {  	[sflag:s17] =	ssyncadd.s32 $0xFFFFFF80  }
0x6b: {  	_ =	swait.ge [sflag:s17], $0x80  }
0x6c: {  	[sflag:s17] =	ssyncset.done $0x0  }
0x6d: {  	[sflag:s17] =	ssyncadd.s32 $0xFFFFFF80  }
0x6e: {  	_ =	swait.ge [sflag:s17], $0x80  }
0x6f: {  	[sflag:s17] =	ssyncset.done $0x0  }
0x70: {  	[sflag:s17] =	ssyncadd.s32 $0xFFFFFF80  }
.Ltmp0:
0x71: {  	_ =	swait.ge [sflag:s17], $0x80;
	(pc) =	sbr.rel @p1 .LBB2_2-.Ltmp0, $4  }
0x72: {  	[sflag:s17] =	ssyncset.done $0x0  }
0x73: {  	[sflag:s17] =	ssyncadd.s32 $0xFFFFFF80  }
0x74: {  	_ =	swait.ge [sflag:s17], $0x80  }
0x75: {  	s25 =	smov.u32 s24;
	[sflag:s17] =	ssyncset.done $0x0  }
0x76: {  	s23 =	sadd.s32 s23, s4;
	[sflag:s17] =	ssyncadd.s32 $0xFFFFFF80  }
0x77: {  	[tilespmem:s3], [sflag:$0x2] =	stream.linear.gather [hbm4b:s23+s3], $0x400, $0x38;
	[tilespmem:$0x1100] =	vst v63  }
0x78: {  	_ =	swait.ge [sflag:s8], $0x400  }
0x79: {  	[sflag:s8] =	ssyncset.done $0x0  }
0x7a: {  	[sflag:s8] =	ssyncadd.s32 $0xFFFFFC00  }
0x7b: {  	[spmem:s2] =	stream.indirect.scatter.add.f32 [tilespmem:s10], [sflag:$0x1], $0x1, s3, s9, $0xb8;
	[tilespmem:$0x1100] =	vst v63  }
0x7c: {  	_ = 	snop  }
0x7d: {  	[spmem:s2] =	stream.indirect.scatter.add.f32 [tilespmem:s10], [sflag:$0x1], $0x1, s9, s9, $0xb8;
	[tilespmem:$0x1100] =	vst v63  }
0x7e: {  	_ = 	snop  }
0x7f: {  	[spmem:s2] =	stream.indirect.scatter.add.f32 [tilespmem:s10], [sflag:$0x1], $0x1, s11, s9, $0xb8;
	[tilespmem:$0x1100] =	vst v63  }
0x80: {  	_ = 	snop  }
0x81: {  	[spmem:s2] =	stream.indirect.scatter.add.f32 [tilespmem:s10], [sflag:$0x1], $0x1, s12, s9, $0xb8;
	[tilespmem:$0x1100] =	vst v63  }
0x82: {  	_ = 	snop  }
0x83: {  	[spmem:s2] =	stream.indirect.scatter.add.f32 [tilespmem:s10], [sflag:$0x1], $0x1, s13, s9, $0xb8;
	[tilespmem:$0x1100] =	vst v63  }
0x84: {  	_ = 	snop  }
0x85: {  	[spmem:s2] =	stream.indirect.scatter.add.f32 [tilespmem:s10], [sflag:$0x1], $0x1, s14, s9, $0xb8;
	[tilespmem:$0x1100] =	vst v63  }
0x86: {  	_ = 	snop  }
0x87: {  	[spmem:s2] =	stream.indirect.scatter.add.f32 [tilespmem:s10], [sflag:$0x1], $0x1, s15, s9, $0xb8;
	[tilespmem:$0x1100] =	vst v63  }
0x88: {  	_ = 	snop  }
0x89: {  	[spmem:s2] =	stream.indirect.scatter.add.f32 [tilespmem:s10], [sflag:$0x1], $0x1, s16, s9, $0xb8;
	[tilespmem:$0x1100] =	vst v63  }
0x8a: {  	_ =	swait.ge [sflag:s17], $0x80  }
0x8b: {  	[sflag:s17] =	ssyncset.done $0x0  }
0x8c: {  	[sflag:s17] =	ssyncadd.s32 $0xFFFFFF80  }
0x8d: {  	_ =	swait.ge [sflag:s17], $0x80  }
0x8e: {  	[sflag:s17] =	ssyncset.done $0x0  }
0x8f: {  	[sflag:s17] =	ssyncadd.s32 $0xFFFFFF80  }
0x90: {  	_ =	swait.ge [sflag:s17], $0x80  }
0x91: {  	[sflag:s17] =	ssyncset.done $0x0  }
0x92: {  	[sflag:s17] =	ssyncadd.s32 $0xFFFFFF80  }
0x93: {  	_ =	swait.ge [sflag:s17], $0x80  }
0x94: {  	[sflag:s17] =	ssyncset.done $0x0  }
0x95: {  	[sflag:s17] =	ssyncadd.s32 $0xFFFFFF80  }
0x96: {  	_ =	swait.ge [sflag:s17], $0x80  }
0x97: {  	[sflag:s17] =	ssyncset.done $0x0  }
0x98: {  	[sflag:s17] =	ssyncadd.s32 $0xFFFFFF80  }
0x99: {  	_ =	swait.ge [sflag:s17], $0x80  }
0x9a: {  	[sflag:s17] =	ssyncset.done $0x0  }
0x9b: {  	[sflag:s17] =	ssyncadd.s32 $0xFFFFFF80  }
0x9c: {  	_ =	swait.ge [sflag:s17], $0x80  }
0x9d: {  	[sflag:s17] =	ssyncset.done $0x0  }
0x9e: {  	[sflag:s17] =	ssyncadd.s32 $0xFFFFFF80  }
0x9f: {  	_ =	swait.ge [sflag:s17], $0x80  }
0xa0: {  	s22 =	sadd.s32 $0x1, s22;
	[sflag:s17] =	ssyncset.done $0x0  }
0xa1: {  	p1 =	sne.s32 s22, s6;
	[sflag:s17] =	ssyncadd.s32 $0xFFFFFF80  }
.Ltmp1:
0xa2: {  	[bflag:$0x0] =	sbarrier.arrive $0xFFFF;
	(pc) =	sbr.rel @p1 .LBB2_1-.Ltmp1, $4  }
0xa3: {  	[hbm:s5@s20], [sflag:s18] =	dma.strided [spmem:s19@s21], $0x190, s17, $0x10   }
0xa4: {  	_ =	swait.ge [sflag:s8], $0x190  }
0xa5: {  	[sflag:s8] =	ssyncset.done $0x0  }
0xa6: {  	[sflag:s8] =	ssyncadd.s32 $0xFFFFFE70  }
0xa7: {  	_ =	sfence.sel $0x180000  }
0xa8: {  	[bflag:$0x0] =	sbarrier.arrive $0xFFFF  }
0xa9: {  	_ =	strace $0x90000047  }
0xaa: {  	s0 =	sadd.s32 @!p0 $0x100000, s1;
	[bflag:$0x2] =	sbarrier.arrive $0xFFFF  }
0xab: {  	[sflag:s0] =	ssyncadd.tile.s32 @!p0 $0x1;
	_ =	shalt  }
.Lfunc_end2:
_tile_overlayer_lowered:
.L_overlay_start_2:
0xac: {  	(tag) =	ssettag $0x2  }
0xad: {  	s0 =	rddreg [dreg:$0x0];
	s2 =	stileid.u32  }
0xae: {  	s1 =	rddreg [dreg:$0x1];
	p0 =	sne.s32 s2, $0x0  }
0xaf: {  	s3 =	rddreg [dreg:$0x2];
	[bflag:$0x3] =	sbarrier.arrive $0xFFFF;
	s2 =	simm.s32 @!p0 $0x1C02  }
0xb0: {  	[timem:s3], [sflag:s2] =	dma.local @!p0 [hbm:s0], s1  }
0xb1: {  	s0 =	simm.s32 @!p0 $0x2  }
0xb2: {  	_ =	swait.ge @!p0 [sflag:s0], s1  }
0xb3: {  	s1 =	ssub.s32 @!p0 $0x0, s1;
	[sflag:s0] =	ssyncset.done @!p0 $0x0  }
0xb4: {  	[sflag:s0] =	ssyncadd.s32 @!p0 s1  }
0xb5: {  	[bflag:$0x3] =	sbarrier.arrive $0xFFFF  }
0xb6: {  	_ =	shalt  }

</sc_bundles>
